<compile_context>
chip_gen: v7x
topology: tpu7x:2x2x1
jax: 0.10.2.dev20260603
libtpu: 0.0.44.dev20260713+nightly
codegen_flags: <defaults>
</compile_context>

<pallas_src>
import functools

import numpy as np
import jax
import jax.numpy as jnp
from jax import lax
from jax.experimental import pallas as pl
from jax.experimental.pallas import tpu as pltpu
from jax.experimental.pallas import tpu_sc as plsc

N = 10000
E = 160000
MUL = 8
D_IN = 32
D_MSG = 48
ALPHA = float(1.0 / np.sqrt(128.0))
INV_SQRT3 = float(1.0 / np.sqrt(3.0))
EPS = 1e-5

NCORES = 2
NSUB = 16
NW = NCORES * NSUB
STRIP = 125
STRIPS = E // STRIP
STRIPS_PER_W = STRIPS // NW
GROUP = 8
GROUPS = STRIPS_PER_W // GROUP
ROWS_PER_GROUP = STRIP * GROUP
ROWS_PER_W = STRIP * STRIPS_PER_W
NODE_ROWS_PER_S = N // NSUB

PK = 4
RPB = 1600
GRID = (E // PK) // RPB

HI = jax.lax.Precision.HIGHEST


def _build_consts():
    perm = list(range(8)) + [8 + 3 * i + m for m in range(3) for i in range(8)]
    eye8 = np.eye(8, dtype=np.float32)
    cay = np.zeros((4, 96), np.float32)
    for i in range(8):
        cay[0, i] = 1.0
    for m in range(3):
        for i in range(8):
            cay[1 + m, 8 + m * 8 + i] = INV_SQRT3
        for j in range(8):
            cay[1 + m, 32 + m * 8 + j] = ALPHA
    for k in range(24):
        cay[0, 64 + k] = 1.0
    cm1coef = np.zeros((4, 32), np.float32)
    for i in range(8):
        cm1coef[0, i] = 1.0
    for m in range(3):
        for i in range(8):
            cm1coef[1 + m, 8 + m * 8 + i] = INV_SQRT3
    cy = np.zeros((4, 56), np.float32)
    for m in range(3):
        for j in range(8):
            cy[1 + m, 8 + m * 8 + j] = ALPHA
    for k in range(24):
        cy[0, 32 + k] = ALPHA
    cm1x = np.zeros((32, 384), np.float32)
    cm2x = np.zeros((32, 384), np.float32)
    for i in range(8):
        for j in range(8):
            cm1x[i, i * 8 + j] = 1.0
            cm2x[i, 128 + i * 8 + j] = 1.0
            for m in range(3):
                cm1x[8 + m * 8 + i, 64 + i * 8 + j] = 1.0
                cm2x[8 + m * 8 + i, 192 + m * 64 + i * 8 + j] = 1.0
    cq56 = np.zeros((384, 56), np.float32)
    for i in range(8):
        for j in range(8):
            cq56[0 * 64 + i * 8 + j, j] = ALPHA
            cq56[1 * 64 + i * 8 + j, j] = ALPHA
            for m in range(3):
                cq56[128 + i * 8 + j, 8 + m * 8 + j] = 1.0
                cq56[192 + m * 64 + i * 8 + j, 32 + m * 8 + j] = 1.0
    cos_ = np.zeros((56, 48), np.float32)
    cfv = np.zeros((56, 48), np.float32)
    for j in range(8):
        cos_[j, j] = 1.0
        for m in range(3):
            cfv[8 + m * 8 + j, 8 + m * 8 + j] = 1.0
            cfv[32 + m * 8 + j, 8 + m * 8 + j] = 1.0
    onesb = np.zeros((1, PK * D_MSG), np.float32)
    for k in range(PK):
        onesb[0, k * D_MSG + 32:(k + 1) * D_MSG] = 1.0
    gm = np.kron(np.full((3, 3), 1.0 / 3.0, np.float32), eye8)
    pout = np.zeros((24, 24), np.float32)
    for i in range(8):
        for m in range(3):
            pout[m * 8 + i, 3 * i + m] = 1.0

    def bd4(mat):
        return np.kron(np.eye(PK, dtype=np.float32), mat)

    cmx = np.vstack([bd4(cm1x), bd4(cm2x)])
    return (np.array(perm, np.int32), bd4(cm1coef), bd4(cy), cmx,
            bd4(cq56), bd4(cos_), bd4(cfv), onesb, gm, pout)


(_PERM, _CSHM, _CY, _CMX, _CQ56, _COS, _CFV, _ONESB,
 _GM, _POUT) = _build_consts()



def _gather_body(h_hbm, idx_hbm, x_hbm, idx_v, rows_v):
    c = lax.axis_index("c")
    s = lax.axis_index("s")
    wid = s * NCORES + c
    pltpu.sync_copy(idx_hbm.at[pl.ds(wid * STRIPS_PER_W, STRIPS_PER_W)], idx_v)

    def group(g, carry):
        for j in range(GROUP):
            pltpu.sync_copy(h_hbm.at[idx_v.at[g * GROUP + j]],
                            rows_v.at[pl.ds(j * STRIP, STRIP)])
        row0 = wid * ROWS_PER_W + g * ROWS_PER_GROUP
        pltpu.sync_copy(rows_v, x_hbm.at[pl.ds(row0, ROWS_PER_GROUP)])
        return carry

    lax.fori_loop(0, GROUPS, group, 0)


@jax.jit
def _sc_gather(h_p, src2d):
    fn = pl.kernel(
        _gather_body,
        out_type=jax.ShapeDtypeStruct((E, D_IN), jnp.float32),
        mesh=plsc.VectorSubcoreMesh(core_axis_name="c", subcore_axis_name="s",
                                    num_cores=NCORES, num_subcores=NSUB),
        scratch_types=[
            pltpu.VMEM((STRIPS_PER_W, STRIP), jnp.int32),
            pltpu.VMEM((ROWS_PER_GROUP, D_IN), jnp.float32),
        ],
        compiler_params=pltpu.CompilerParams(use_tc_tiling_on_sc=False),
    )
    return fn(h_p, src2d)



def _scatter_body(msg_hbm, dst_hbm, zeros_hbm, out_hbm, idx_v, msg_v, stage_v, acc_sh):
    c = lax.axis_index("c")
    s = lax.axis_index("s")
    wid = s * NCORES + c

    @pl.when(s == 0)
    def _():
        pltpu.sync_copy(zeros_hbm, acc_sh)

    plsc.subcore_barrier()
    pltpu.sync_copy(dst_hbm.at[pl.ds(wid * STRIPS_PER_W, STRIPS_PER_W)], idx_v)

    def group(g, carry):
        row0 = wid * ROWS_PER_W + g * ROWS_PER_GROUP
        pltpu.sync_copy(msg_hbm.at[pl.ds(row0, ROWS_PER_GROUP)], msg_v)
        for j in range(GROUP):
            pltpu.sync_copy(msg_v.at[pl.ds(j * STRIP, STRIP)],
                            acc_sh.at[idx_v.at[g * GROUP + j]], add=True)
        return carry

    lax.fori_loop(0, GROUPS, group, 0)
    plsc.subcore_barrier()
    pltpu.sync_copy(acc_sh.at[pl.ds(s * NODE_ROWS_PER_S, NODE_ROWS_PER_S)], stage_v)
    pltpu.sync_copy(stage_v, out_hbm.at[c, pl.ds(s * NODE_ROWS_PER_S, NODE_ROWS_PER_S)])


@jax.jit
def _sc_scatter(msg, dst2d, zeros_nd):
    fn = pl.kernel(
        _scatter_body,
        out_type=jax.ShapeDtypeStruct((NCORES, N, D_MSG), jnp.float32),
        mesh=plsc.VectorSubcoreMesh(core_axis_name="c", subcore_axis_name="s",
                                    num_cores=NCORES, num_subcores=NSUB),
        scratch_types=[
            pltpu.VMEM((STRIPS_PER_W, STRIP), jnp.int32),
            pltpu.VMEM((ROWS_PER_GROUP, D_MSG), jnp.float32),
            pltpu.VMEM((NODE_ROWS_PER_S, D_MSG), jnp.float32),
            pltpu.VMEM_SHARED((N, D_MSG), jnp.float32),
        ],
        compiler_params=pltpu.CompilerParams(use_tc_tiling_on_sc=False),
    )
    return fn(msg, dst2d, zeros_nd)



def _edge_body(ef_ref, x_ref, sh_ref, w1, b1, w2, b2, w3, b3,
               cshm, cy, cmx, cq56, cos_, cfv, onesb, out_ref):
    ef = ef_ref[...]
    xx = x_ref[...]
    shv = sh_ref[...]
    a = ef @ w1[...] + b1[...]
    a = a * jax.nn.sigmoid(a)
    a = a @ w2[...] + b2[...]
    a = a * jax.nn.sigmoid(a)
    w = a @ w3[...] + b3[...]

    shm = shv @ cshm[...]
    ymul = shv @ cy[...]
    m1 = xx * shm
    us = jnp.concatenate([m1, xx], axis=1) @ cmx[...]
    red = (w * us) @ cq56[...]
    out = red @ cos_[...] + (red * ymul) @ cfv[...] + onesb[...]
    out_ref[...] = out


@jax.jit
def _tc_edges(ef, x, sh, W1, b1, W2, b2, W3, b3):
    full = lambda shape: pl.BlockSpec(shape, lambda i: (0, 0))
    eye = jnp.eye(PK, dtype=jnp.float32)
    w1b = jnp.kron(eye, W1)
    w2b = jnp.kron(eye, W2)
    w3p = jnp.concatenate([W3[:, 0:192], jnp.tile(W3[:, 192:256], (1, 3))], axis=1)
    w3b = jnp.kron(eye, w3p)
    b3p = jnp.concatenate([b3[0:192], jnp.tile(b3[192:256], 3)])
    out = pl.pallas_call(
        _edge_body,
        grid=(GRID,),
        in_specs=[
            pl.BlockSpec((RPB, PK * 16), lambda i: (i, 0)),
            pl.BlockSpec((RPB, PK * D_IN), lambda i: (i, 0)),
            pl.BlockSpec((RPB, PK * 4), lambda i: (i, 0)),
            full((PK * 16, PK * 64)), full((1, PK * 64)),
            full((PK * 64, PK * 64)), full((1, PK * 64)),
            full((PK * 64, PK * 384)), full((1, PK * 384)),
            full((PK * 4, PK * 32)), full((PK * 4, PK * 56)),
            full((2 * PK * 32, PK * 384)),
            full((PK * 384, PK * 56)), full((PK * 56, PK * D_MSG)),
            full((PK * 56, PK * D_MSG)), full((1, PK * D_MSG)),
        ],
        out_specs=pl.BlockSpec((RPB, PK * D_MSG), lambda i: (i, 0)),
        out_shape=jax.ShapeDtypeStruct((E // PK, PK * D_MSG), jnp.float32),
    )(ef.reshape(E // PK, PK * 16), x.reshape(E // PK, PK * D_IN),
      sh.reshape(E // PK, PK * 4),
      w1b, jnp.tile(b1, PK).reshape(1, -1),
      w2b, jnp.tile(b2, PK).reshape(1, -1),
      w3b, jnp.tile(b3p, PK).reshape(1, -1),
      jnp.asarray(_CSHM), jnp.asarray(_CY), jnp.asarray(_CMX),
      jnp.asarray(_CQ56), jnp.asarray(_COS),
      jnp.asarray(_CFV), jnp.asarray(_ONESB))
    return out.reshape(E, D_MSG)



def _finish_body(agg_ref, hp_ref, wsi, w0, b0, w1g, gm, pout, out_ref):
    agg = agg_ref[0] + agg_ref[1]
    cnt = jnp.maximum(agg[:, 32:33], 1.0)
    mean = agg[:, 0:32] / cnt
    hp = hp_ref[...]
    si = jax.lax.dot(hp, wsi[...])
    o = mean + si
    os_ = o[:, 0:8]
    ov = o[:, 8:32]
    mu = jnp.mean(os_, axis=0, keepdims=True)
    osc = os_ - mu
    var = jnp.mean(osc * osc, axis=0, keepdims=True)
    os_n = osc * lax.rsqrt(var + EPS) * w0[...] + b0[...]
    colsq = jnp.mean(ov * ov, axis=0, keepdims=True)
    n2 = jax.lax.dot(colsq, gm[...])
    ov_n = ov * lax.rsqrt(n2 + EPS) * w1g[...]
    zv = ov_n + hp[:, 8:32]
    zs = os_n + hp[:, 0:8]
    out_ref[...] = jnp.concatenate(
        [zs, jax.lax.dot(zv, pout[...])], axis=1)


@jax.jit
def _tc_finish(agg2, h_p, Wsi, bn_w0, bn_b0, w1g):
    return pl.pallas_call(
        _finish_body,
        out_shape=jax.ShapeDtypeStruct((N, D_IN), jnp.float32),
    )(agg2, h_p, Wsi, bn_w0.reshape(1, 8), bn_b0.reshape(1, 8),
      w1g.reshape(1, 24), jnp.asarray(_GM), jnp.asarray(_POUT))



def kernel(h, edge_index, edge_sh, edge_features,
           W1, b1, W2, b2, W3, b3, Ws, Wv, bn_w0, bn_b0, bn_w1):
    h = h.astype(jnp.float32)
    src = edge_index[0].astype(jnp.int32).reshape(STRIPS, STRIP)
    dst = edge_index[1].astype(jnp.int32).reshape(STRIPS, STRIP)
    h_p = h[:, jnp.asarray(_PERM)]

    x = _sc_gather(h_p, src)
    msg = _tc_edges(edge_features, x, edge_sh, W1, b1, W2, b2, W3, b3)
    zeros_nd = jnp.zeros((N, D_MSG), jnp.float32)
    agg2 = _sc_scatter(msg, dst, zeros_nd)

    isq = 1.0 / jnp.sqrt(jnp.float32(MUL))
    Wsi = jnp.zeros((32, 32), jnp.float32)
    Wsi = Wsi.at[0:8, 0:8].set(Ws * isq)
    Wsi = Wsi.at[8:32, 8:32].set(jnp.kron(jnp.eye(3, dtype=jnp.float32), Wv) * isq)
    w1g = jnp.tile(bn_w1, 3)
    return _tc_finish(agg2, h_p, Wsi, bn_w0, bn_b0, w1g)

# --- scband reference (transcript-rebuilt; emitter-appended) ---
"""Pipeline reference for scband-spherical-harmonics-convolution-51969104282137 (READ-ONLY COPY).

The authoritative reference and input builder live on the scoring server;
editing this copy changes nothing except your own understanding.
"""

import jax, jax.numpy as jnp
import numpy as np

N_NODES = 10000
N_EDGES = 160000
MUL = 8
D_NODE = 32
D_EDGE_FEAT = 16
HIDDEN = 64
W_NUMEL = 4 * MUL * MUL  # 4 TP paths, 8x8 weights each = 256


def setup_inputs(seed: int = 0) -> dict:
    key = jax.random.key(seed)
    ks = jax.random.split(key, 16)
    h = jax.random.normal(ks[0], (N_NODES, D_NODE), dtype=jnp.float32)
    edge_index = jax.random.randint(ks[1], (2, N_EDGES), 0, N_NODES, dtype=jnp.int64)
    edge_sh = jax.random.normal(ks[2], (N_EDGES, 4), dtype=jnp.float32)
    edge_features = jax.random.normal(ks[3], (N_EDGES, D_EDGE_FEAT), dtype=jnp.float32)
    # edge MLP params
    W1 = jax.random.normal(ks[4], (D_EDGE_FEAT, HIDDEN), dtype=jnp.float32) / np.sqrt(D_EDGE_FEAT)
    b1 = jnp.zeros((HIDDEN,), dtype=jnp.float32)
    W2 = jax.random.normal(ks[5], (HIDDEN, HIDDEN), dtype=jnp.float32) / np.sqrt(HIDDEN)
    b2 = jnp.zeros((HIDDEN,), dtype=jnp.float32)
    W3 = jax.random.normal(ks[6], (HIDDEN, W_NUMEL), dtype=jnp.float32) / np.sqrt(HIDDEN)
    b3 = jnp.zeros((W_NUMEL,), dtype=jnp.float32)
    # equivariant self-interaction Linear params (per-irrep channel mixing)
    Ws = jax.random.normal(ks[7], (MUL, MUL), dtype=jnp.float32)
    Wv = jax.random.normal(ks[8], (MUL, MUL), dtype=jnp.float32)
    # equivariant BatchNorm affine params
    bn_w0 = jnp.ones((MUL,), dtype=jnp.float32)
    bn_b0 = jnp.zeros((MUL,), dtype=jnp.float32)
    bn_w1 = jnp.ones((MUL,), dtype=jnp.float32)
    return {"h": h, "edge_index": edge_index, "edge_sh": edge_sh, "edge_features": edge_features,
            "W1": W1, "b1": b1, "W2": W2, "b2": b2, "W3": W3, "b3": b3,
            "Ws": Ws, "Wv": Wv, "bn_w0": bn_w0, "bn_b0": bn_b0, "bn_w1": bn_w1}


def reference(h, edge_index, edge_sh, edge_features, W1, b1, W2, b2, W3, b3, Ws, Wv, bn_w0, bn_b0, bn_w1):
    N = h.shape[0]
    src = edge_index[0]
    dst = edge_index[1]
    E = edge_sh.shape[0]
    # ---- edge MLP -> per-edge tensor-product weights (shared_weights=False) ----
    w = jax.nn.silu(edge_features @ W1 + b1)
    w = jax.nn.silu(w @ W2 + b2)
    w = w @ W3 + b3  # [E, 256]
    w = w.reshape(E, 4, MUL, MUL)
    w_ss, w_vv, w_sv, w_vs = w[:, 0], w[:, 1], w[:, 2], w[:, 3]
    # ---- gather source node features ----
    x = h[src]  # [E, 32]
    s_in = x[:, :MUL]                       # [E, 8]  0e scalars
    v_in = x[:, MUL:].reshape(E, MUL, 3)    # [E, 8, 3] 1o vectors
    y0 = edge_sh[:, :1]                     # [E, 1] sh 0e
    y1 = edge_sh[:, 1:4]                    # [E, 3] sh 1o
    # ---- FullyConnectedTensorProduct (lmax=1 CG paths, component/path normalized) ----
    alpha = 1.0 / jnp.sqrt(128.0)  # fan-in normalization: 2 paths x mul1*mul2 = 2*64
    dot_vy = jnp.einsum('eim,em->ei', v_in, y1) / jnp.sqrt(3.0)  # 1o x 1o -> 0e
    out_s = (jnp.einsum('eij,ei->ej', w_ss, s_in * y0)
             + jnp.einsum('eij,ei->ej', w_vv, dot_vy)) * alpha   # [E, 8]
    sv = s_in[:, :, None] * y1[:, None, :]         # 0e x 1o -> 1o, [E, 8, 3]
    vs = v_in * y0[:, :, None]                     # 1o x 0e -> 1o, [E, 8, 3]
    out_v = (jnp.einsum('eij,eim->ejm', w_sv, sv)
             + jnp.einsum('eij,eim->ejm', w_vs, vs)) * alpha     # [E, 8, 3]
    messages = jnp.concatenate([out_s, out_v.reshape(E, 3 * MUL)], axis=1)  # [E, 32]
    # ---- scatter mean over destination nodes ----
    seg = jax.ops.segment_sum(messages, dst, num_segments=N)
    cnt = jax.ops.segment_sum(jnp.ones((E,), dtype=h.dtype), dst, num_segments=N)
    agg = seg / jnp.maximum(cnt, 1.0)[:, None]
    # ---- equivariant self-interaction Linear ----
    s_h = h[:, :MUL]
    v_h = h[:, MUL:].reshape(N, MUL, 3)
    si_s = (s_h @ Ws) / jnp.sqrt(float(MUL))
    si_v = jnp.einsum('nim,ij->njm', v_h, Wv) / jnp.sqrt(float(MUL))
    out = agg + jnp.concatenate([si_s, si_v.reshape(N, 3 * MUL)], axis=1)
    # ---- equivariant BatchNorm (training-mode batch stats) ----
    eps = 1e-5
    os_ = out[:, :MUL]
    ov = out[:, MUL:].reshape(N, MUL, 3)
    mu = os_.mean(axis=0)
    osc = os_ - mu
    var = (osc ** 2).mean(axis=0)
    os_n = osc / jnp.sqrt(var + eps) * bn_w0 + bn_b0
    n2 = (ov ** 2).mean(axis=(0, 2))
    ov_n = ov / jnp.sqrt(n2 + eps)[None, :, None] * bn_w1[None, :, None]
    out = jnp.concatenate([os_n, ov_n.reshape(N, 3 * MUL)], axis=1)
    # ---- residual (irreps_in == irreps_out) ----
    out = out + h
    return out

if __name__ == "__main__":
    import jax
    _d = setup_inputs()
    print(jax.jit(kernel)(*tuple(_d.values())))

</pallas_src>

<mosaic_0001>
#map = affine_map<(d0, d1) -> (0, 0)>
module attributes {stable_mosaic.version = 14 : i64} {
  func.func @_gather_body(%arg0: i32, %arg1: i32, %arg2: memref<10000x32xf32, #tpu.memory_space<hbm>>, %arg3: memref<1280x125xi32, #tpu.memory_space<hbm>>, %arg4: memref<160000x32xf32, #tpu.memory_space<hbm>>, %arg5: memref<40x125xi32, #tpu.memory_space<vmem>>, %arg6: memref<1000x32xf32, #tpu.memory_space<vmem>>) attributes {dimension_semantics = [#tpu.dimension_semantics<core_parallel>, #tpu.dimension_semantics<subcore_parallel>], iteration_bounds = array<i64: 2, 16>, scalar_prefetch = 0 : i64, scratch_operands = 2 : i64, tpu.core_type = #tpu.core_type<sc_vector_subcore>, window_params = [{transform_indices = #map}, {transform_indices = #map}, {transform_indices = #map}]} {
    %mul3A = arith.constant 2 : i32
    %mul3A_0 = arith.muli %arg1, %mul3A : i32
    %add3A = arith.addi %mul3A_0, %arg0 : i32
    %mul3A_1 = arith.constant 40 : i32
    %mul3A_2 = arith.muli %add3A, %mul3A_1 : i32
    "tpu.region"() ({
      %run_scoped3A = tpu.sem_alloc : memref<!tpu.dma_semaphore, #tpu.memory_space<semaphore_mem>>
      %dma_start3A = arith.constant 0 : i32
      %dma_start3A_8 = tpu.memref_slice %arg3[%mul3A_2, %dma_start3A] : memref<1280x125xi32, #tpu.memory_space<hbm>> -> memref<40x125xi32, #tpu.memory_space<hbm>>
      %dma_start3A_9 = arith.constant 0 : i32
      %dma_start3A_10 = tpu.memref_slice %arg3[%mul3A_2, %dma_start3A_9] : memref<1280x125xi32, #tpu.memory_space<hbm>> -> memref<40x125xi32, #tpu.memory_space<hbm>>
      tpu.enqueue_dma source(%dma_start3A_10 : memref<40x125xi32, #tpu.memory_space<hbm>>) target(%arg5 : memref<40x125xi32, #tpu.memory_space<vmem>>) target_semaphore(%run_scoped3A : memref<!tpu.dma_semaphore, #tpu.memory_space<semaphore_mem>>)
      %dma_wait3A = arith.constant 0 : i32
      %dma_wait3A_11 = tpu.memref_slice %arg3[%mul3A_2, %dma_wait3A] : memref<1280x125xi32, #tpu.memory_space<hbm>> -> memref<40x125xi32, #tpu.memory_space<hbm>>
      %dma_wait3A_12 = arith.constant 0 : i32
      %dma_wait3A_13 = tpu.memref_slice %arg3[%mul3A_2, %dma_wait3A_12] : memref<1280x125xi32, #tpu.memory_space<hbm>> -> memref<40x125xi32, #tpu.memory_space<hbm>>
      tpu.wait_dma2 semaphore(%run_scoped3A : memref<!tpu.dma_semaphore, #tpu.memory_space<semaphore_mem>>) src(%dma_wait3A_13 : memref<40x125xi32, #tpu.memory_space<hbm>>) dst(%arg5 : memref<40x125xi32, #tpu.memory_space<vmem>>)
      tpu.yield
    }) : () -> ()
    %scan3A = arith.constant 0 : i32
    %scan3A_3 = arith.constant 0 : i32
    %scan3A_4 = arith.constant 5 : i32
    %scan3A_5 = arith.addi %scan3A_3, %scan3A_4 : i32
    %scan3A_6 = arith.constant 1 : i32
    scf.for %scan3A_8 = %scan3A_3 to %scan3A_5 step %scan3A_6  : i32 {
      %mul3A_9 = arith.constant 8 : i32
      %mul3A_10 = arith.muli %scan3A_8, %mul3A_9 : i32
      %add3A_11 = arith.constant 0 : i32
      %add3A_12 = arith.addi %mul3A_10, %add3A_11 : i32
      "tpu.region"() ({
        %run_scoped3A = tpu.sem_alloc : memref<!tpu.dma_semaphore, #tpu.memory_space<semaphore_mem>>
        %dma_start3A = arith.constant 0 : i32
        %dma_start3A_46 = arith.constant 0 : i32
        %dma_start3A_47 = tpu.memref_slice %arg6[%dma_start3A, %dma_start3A_46] : memref<1000x32xf32, #tpu.memory_space<vmem>> -> memref<125x32xf32, #tpu.memory_space<vmem>>
        %dma_start3A_48 = arith.constant 0 : i32
        %dma_start3A_49 = tpu.memref_slice %arg5[%add3A_12, %dma_start3A_48] : memref<40x125xi32, #tpu.memory_space<vmem>> -> memref<1x125xi32, #tpu.memory_space<vmem>>
        %dma_start3A_50 = tpu.memref_squeeze %dma_start3A_49 : memref<1x125xi32, #tpu.memory_space<vmem>> -> memref<125xi32, #tpu.memory_space<vmem>>
        %dma_start3A_51 = arith.constant 0 : i32
        %dma_start3A_52 = arith.constant 0 : i32
        %dma_start3A_53 = tpu.memref_slice %arg2[%dma_start3A_51, %dma_start3A_52] : memref<10000x32xf32, #tpu.memory_space<hbm>> -> memref<10000x32xf32, #tpu.memory_space<hbm>>
        tpu.enqueue_indirect_dma source(%dma_start3A_53 : memref<10000x32xf32, #tpu.memory_space<hbm>>) target(%dma_start3A_47 : memref<125x32xf32, #tpu.memory_space<vmem>>) offsets(%dma_start3A_50 : memref<125xi32, #tpu.memory_space<vmem>>) semaphore(%run_scoped3A : memref<!tpu.dma_semaphore, #tpu.memory_space<semaphore_mem>>)
        %dma_wait3A = arith.constant 0 : i32
        %dma_wait3A_54 = arith.constant 0 : i32
        %dma_wait3A_55 = tpu.memref_slice %arg6[%dma_wait3A, %dma_wait3A_54] : memref<1000x32xf32, #tpu.memory_space<vmem>> -> memref<125x32xf32, #tpu.memory_space<vmem>>
        %dma_wait3A_56 = arith.constant 0 : i32
        %dma_wait3A_57 = tpu.memref_slice %arg5[%add3A_12, %dma_wait3A_56] : memref<40x125xi32, #tpu.memory_space<vmem>> -> memref<1x125xi32, #tpu.memory_space<vmem>>
        %dma_wait3A_58 = tpu.memref_squeeze %dma_wait3A_57 : memref<1x125xi32, #tpu.memory_space<vmem>> -> memref<125xi32, #tpu.memory_space<vmem>>
        %dma_wait3A_59 = arith.constant 0 : i32
        %dma_wait3A_60 = arith.constant 0 : i32
        %dma_wait3A_61 = tpu.memref_slice %arg2[%dma_wait3A_59, %dma_wait3A_60] : memref<10000x32xf32, #tpu.memory_space<hbm>> -> memref<10000x32xf32, #tpu.memory_space<hbm>>
        tpu.wait_indirect_dma semaphore(%run_scoped3A : memref<!tpu.dma_semaphore, #tpu.memory_space<semaphore_mem>>) src(%dma_wait3A_61 : memref<10000x32xf32, #tpu.memory_space<hbm>>) dst(%dma_wait3A_55 : memref<125x32xf32, #tpu.memory_space<vmem>>)
        tpu.yield
      }) : () -> ()
      %mul3A_13 = arith.constant 8 : i32
      %mul3A_14 = arith.muli %scan3A_8, %mul3A_13 : i32
      %add3A_15 = arith.constant 1 : i32
      %add3A_16 = arith.addi %mul3A_14, %add3A_15 : i32
      "tpu.region"() ({
        %run_scoped3A = tpu.sem_alloc : memref<!tpu.dma_semaphore, #tpu.memory_space<semaphore_mem>>
        %dma_start3A = arith.constant 125 : i32
        %dma_start3A_46 = arith.constant 0 : i32
        %dma_start3A_47 = tpu.memref_slice %arg6[%dma_start3A, %dma_start3A_46] : memref<1000x32xf32, #tpu.memory_space<vmem>> -> memref<125x32xf32, #tpu.memory_space<vmem>>
        %dma_start3A_48 = arith.constant 0 : i32
        %dma_start3A_49 = tpu.memref_slice %arg5[%add3A_16, %dma_start3A_48] : memref<40x125xi32, #tpu.memory_space<vmem>> -> memref<1x125xi32, #tpu.memory_space<vmem>>
        %dma_start3A_50 = tpu.memref_squeeze %dma_start3A_49 : memref<1x125xi32, #tpu.memory_space<vmem>> -> memref<125xi32, #tpu.memory_space<vmem>>
        %dma_start3A_51 = arith.constant 0 : i32
        %dma_start3A_52 = arith.constant 0 : i32
        %dma_start3A_53 = tpu.memref_slice %arg2[%dma_start3A_51, %dma_start3A_52] : memref<10000x32xf32, #tpu.memory_space<hbm>> -> memref<10000x32xf32, #tpu.memory_space<hbm>>
        tpu.enqueue_indirect_dma source(%dma_start3A_53 : memref<10000x32xf32, #tpu.memory_space<hbm>>) target(%dma_start3A_47 : memref<125x32xf32, #tpu.memory_space<vmem>>) offsets(%dma_start3A_50 : memref<125xi32, #tpu.memory_space<vmem>>) semaphore(%run_scoped3A : memref<!tpu.dma_semaphore, #tpu.memory_space<semaphore_mem>>)
        %dma_wait3A = arith.constant 125 : i32
        %dma_wait3A_54 = arith.constant 0 : i32
        %dma_wait3A_55 = tpu.memref_slice %arg6[%dma_wait3A, %dma_wait3A_54] : memref<1000x32xf32, #tpu.memory_space<vmem>> -> memref<125x32xf32, #tpu.memory_space<vmem>>
        %dma_wait3A_56 = arith.constant 0 : i32
        %dma_wait3A_57 = tpu.memref_slice %arg5[%add3A_16, %dma_wait3A_56] : memref<40x125xi32, #tpu.memory_space<vmem>> -> memref<1x125xi32, #tpu.memory_space<vmem>>
        %dma_wait3A_58 = tpu.memref_squeeze %dma_wait3A_57 : memref<1x125xi32, #tpu.memory_space<vmem>> -> memref<125xi32, #tpu.memory_space<vmem>>
        %dma_wait3A_59 = arith.constant 0 : i32
        %dma_wait3A_60 = arith.constant 0 : i32
        %dma_wait3A_61 = tpu.memref_slice %arg2[%dma_wait3A_59, %dma_wait3A_60] : memref<10000x32xf32, #tpu.memory_space<hbm>> -> memref<10000x32xf32, #tpu.memory_space<hbm>>
        tpu.wait_indirect_dma semaphore(%run_scoped3A : memref<!tpu.dma_semaphore, #tpu.memory_space<semaphore_mem>>) src(%dma_wait3A_61 : memref<10000x32xf32, #tpu.memory_space<hbm>>) dst(%dma_wait3A_55 : memref<125x32xf32, #tpu.memory_space<vmem>>)
        tpu.yield
      }) : () -> ()
      %mul3A_17 = arith.constant 8 : i32
      %mul3A_18 = arith.muli %scan3A_8, %mul3A_17 : i32
      %add3A_19 = arith.constant 2 : i32
      %add3A_20 = arith.addi %mul3A_18, %add3A_19 : i32
      "tpu.region"() ({
        %run_scoped3A = tpu.sem_alloc : memref<!tpu.dma_semaphore, #tpu.memory_space<semaphore_mem>>
        %dma_start3A = arith.constant 250 : i32
        %dma_start3A_46 = arith.constant 0 : i32
        %dma_start3A_47 = tpu.memref_slice %arg6[%dma_start3A, %dma_start3A_46] : memref<1000x32xf32, #tpu.memory_space<vmem>> -> memref<125x32xf32, #tpu.memory_space<vmem>>
        %dma_start3A_48 = arith.constant 0 : i32
        %dma_start3A_49 = tpu.memref_slice %arg5[%add3A_20, %dma_start3A_48] : memref<40x125xi32, #tpu.memory_space<vmem>> -> memref<1x125xi32, #tpu.memory_space<vmem>>
        %dma_start3A_50 = tpu.memref_squeeze %dma_start3A_49 : memref<1x125xi32, #tpu.memory_space<vmem>> -> memref<125xi32, #tpu.memory_space<vmem>>
        %dma_start3A_51 = arith.constant 0 : i32
        %dma_start3A_52 = arith.constant 0 : i32
        %dma_start3A_53 = tpu.memref_slice %arg2[%dma_start3A_51, %dma_start3A_52] : memref<10000x32xf32, #tpu.memory_space<hbm>> -> memref<10000x32xf32, #tpu.memory_space<hbm>>
        tpu.enqueue_indirect_dma source(%dma_start3A_53 : memref<10000x32xf32, #tpu.memory_space<hbm>>) target(%dma_start3A_47 : memref<125x32xf32, #tpu.memory_space<vmem>>) offsets(%dma_start3A_50 : memref<125xi32, #tpu.memory_space<vmem>>) semaphore(%run_scoped3A : memref<!tpu.dma_semaphore, #tpu.memory_space<semaphore_mem>>)
        %dma_wait3A = arith.constant 250 : i32
        %dma_wait3A_54 = arith.constant 0 : i32
        %dma_wait3A_55 = tpu.memref_slice %arg6[%dma_wait3A, %dma_wait3A_54] : memref<1000x32xf32, #tpu.memory_space<vmem>> -> memref<125x32xf32, #tpu.memory_space<vmem>>
        %dma_wait3A_56 = arith.constant 0 : i32
        %dma_wait3A_57 = tpu.memref_slice %arg5[%add3A_20, %dma_wait3A_56] : memref<40x125xi32, #tpu.memory_space<vmem>> -> memref<1x125xi32, #tpu.memory_space<vmem>>
        %dma_wait3A_58 = tpu.memref_squeeze %dma_wait3A_57 : memref<1x125xi32, #tpu.memory_space<vmem>> -> memref<125xi32, #tpu.memory_space<vmem>>
        %dma_wait3A_59 = arith.constant 0 : i32
        %dma_wait3A_60 = arith.constant 0 : i32
        %dma_wait3A_61 = tpu.memref_slice %arg2[%dma_wait3A_59, %dma_wait3A_60] : memref<10000x32xf32, #tpu.memory_space<hbm>> -> memref<10000x32xf32, #tpu.memory_space<hbm>>
        tpu.wait_indirect_dma semaphore(%run_scoped3A : memref<!tpu.dma_semaphore, #tpu.memory_space<semaphore_mem>>) src(%dma_wait3A_61 : memref<10000x32xf32, #tpu.memory_space<hbm>>) dst(%dma_wait3A_55 : memref<125x32xf32, #tpu.memory_space<vmem>>)
        tpu.yield
      }) : () -> ()
      %mul3A_21 = arith.constant 8 : i32
      %mul3A_22 = arith.muli %scan3A_8, %mul3A_21 : i32
      %add3A_23 = arith.constant 3 : i32
      %add3A_24 = arith.addi %mul3A_22, %add3A_23 : i32
      "tpu.region"() ({
        %run_scoped3A = tpu.sem_alloc : memref<!tpu.dma_semaphore, #tpu.memory_space<semaphore_mem>>
        %dma_start3A = arith.constant 375 : i32
        %dma_start3A_46 = arith.constant 0 : i32
        %dma_start3A_47 = tpu.memref_slice %arg6[%dma_start3A, %dma_start3A_46] : memref<1000x32xf32, #tpu.memory_space<vmem>> -> memref<125x32xf32, #tpu.memory_space<vmem>>
        %dma_start3A_48 = arith.constant 0 : i32
        %dma_start3A_49 = tpu.memref_slice %arg5[%add3A_24, %dma_start3A_48] : memref<40x125xi32, #tpu.memory_space<vmem>> -> memref<1x125xi32, #tpu.memory_space<vmem>>
        %dma_start3A_50 = tpu.memref_squeeze %dma_start3A_49 : memref<1x125xi32, #tpu.memory_space<vmem>> -> memref<125xi32, #tpu.memory_space<vmem>>
        %dma_start3A_51 = arith.constant 0 : i32
        %dma_start3A_52 = arith.constant 0 : i32
        %dma_start3A_53 = tpu.memref_slice %arg2[%dma_start3A_51, %dma_start3A_52] : memref<10000x32xf32, #tpu.memory_space<hbm>> -> memref<10000x32xf32, #tpu.memory_space<hbm>>
        tpu.enqueue_indirect_dma source(%dma_start3A_53 : memref<10000x32xf32, #tpu.memory_space<hbm>>) target(%dma_start3A_47 : memref<125x32xf32, #tpu.memory_space<vmem>>) offsets(%dma_start3A_50 : memref<125xi32, #tpu.memory_space<vmem>>) semaphore(%run_scoped3A : memref<!tpu.dma_semaphore, #tpu.memory_space<semaphore_mem>>)
        %dma_wait3A = arith.constant 375 : i32
        %dma_wait3A_54 = arith.constant 0 : i32
        %dma_wait3A_55 = tpu.memref_slice %arg6[%dma_wait3A, %dma_wait3A_54] : memref<1000x32xf32, #tpu.memory_space<vmem>> -> memref<125x32xf32, #tpu.memory_space<vmem>>
        %dma_wait3A_56 = arith.constant 0 : i32
        %dma_wait3A_57 = tpu.memref_slice %arg5[%add3A_24, %dma_wait3A_56] : memref<40x125xi32, #tpu.memory_space<vmem>> -> memref<1x125xi32, #tpu.memory_space<vmem>>
        %dma_wait3A_58 = tpu.memref_squeeze %dma_wait3A_57 : memref<1x125xi32, #tpu.memory_space<vmem>> -> memref<125xi32, #tpu.memory_space<vmem>>
        %dma_wait3A_59 = arith.constant 0 : i32
        %dma_wait3A_60 = arith.constant 0 : i32
        %dma_wait3A_61 = tpu.memref_slice %arg2[%dma_wait3A_59, %dma_wait3A_60] : memref<10000x32xf32, #tpu.memory_space<hbm>> -> memref<10000x32xf32, #tpu.memory_space<hbm>>
        tpu.wait_indirect_dma semaphore(%run_scoped3A : memref<!tpu.dma_semaphore, #tpu.memory_space<semaphore_mem>>) src(%dma_wait3A_61 : memref<10000x32xf32, #tpu.memory_space<hbm>>) dst(%dma_wait3A_55 : memref<125x32xf32, #tpu.memory_space<vmem>>)
        tpu.yield
      }) : () -> ()
      %mul3A_25 = arith.constant 8 : i32
      %mul3A_26 = arith.muli %scan3A_8, %mul3A_25 : i32
      %add3A_27 = arith.constant 4 : i32
      %add3A_28 = arith.addi %mul3A_26, %add3A_27 : i32
      "tpu.region"() ({
        %run_scoped3A = tpu.sem_alloc : memref<!tpu.dma_semaphore, #tpu.memory_space<semaphore_mem>>
        %dma_start3A = arith.constant 500 : i32
        %dma_start3A_46 = arith.constant 0 : i32
        %dma_start3A_47 = tpu.memref_slice %arg6[%dma_start3A, %dma_start3A_46] : memref<1000x32xf32, #tpu.memory_space<vmem>> -> memref<125x32xf32, #tpu.memory_space<vmem>>
        %dma_start3A_48 = arith.constant 0 : i32
        %dma_start3A_49 = tpu.memref_slice %arg5[%add3A_28, %dma_start3A_48] : memref<40x125xi32, #tpu.memory_space<vmem>> -> memref<1x125xi32, #tpu.memory_space<vmem>>
        %dma_start3A_50 = tpu.memref_squeeze %dma_start3A_49 : memref<1x125xi32, #tpu.memory_space<vmem>> -> memref<125xi32, #tpu.memory_space<vmem>>
        %dma_start3A_51 = arith.constant 0 : i32
        %dma_start3A_52 = arith.constant 0 : i32
        %dma_start3A_53 = tpu.memref_slice %arg2[%dma_start3A_51, %dma_start3A_52] : memref<10000x32xf32, #tpu.memory_space<hbm>> -> memref<10000x32xf32, #tpu.memory_space<hbm>>
        tpu.enqueue_indirect_dma source(%dma_start3A_53 : memref<10000x32xf32, #tpu.memory_space<hbm>>) target(%dma_start3A_47 : memref<125x32xf32, #tpu.memory_space<vmem>>) offsets(%dma_start3A_50 : memref<125xi32, #tpu.memory_space<vmem>>) semaphore(%run_scoped3A : memref<!tpu.dma_semaphore, #tpu.memory_space<semaphore_mem>>)
        %dma_wait3A = arith.constant 500 : i32
        %dma_wait3A_54 = arith.constant 0 : i32
        %dma_wait3A_55 = tpu.memref_slice %arg6[%dma_wait3A, %dma_wait3A_54] : memref<1000x32xf32, #tpu.memory_space<vmem>> -> memref<125x32xf32, #tpu.memory_space<vmem>>
        %dma_wait3A_56 = arith.constant 0 : i32
        %dma_wait3A_57 = tpu.memref_slice %arg5[%add3A_28, %dma_wait3A_56] : memref<40x125xi32, #tpu.memory_space<vmem>> -> memref<1x125xi32, #tpu.memory_space<vmem>>
        %dma_wait3A_58 = tpu.memref_squeeze %dma_wait3A_57 : memref<1x125xi32, #tpu.memory_space<vmem>> -> memref<125xi32, #tpu.memory_space<vmem>>
        %dma_wait3A_59 = arith.constant 0 : i32
        %dma_wait3A_60 = arith.constant 0 : i32
        %dma_wait3A_61 = tpu.memref_slice %arg2[%dma_wait3A_59, %dma_wait3A_60] : memref<10000x32xf32, #tpu.memory_space<hbm>> -> memref<10000x32xf32, #tpu.memory_space<hbm>>
        tpu.wait_indirect_dma semaphore(%run_scoped3A : memref<!tpu.dma_semaphore, #tpu.memory_space<semaphore_mem>>) src(%dma_wait3A_61 : memref<10000x32xf32, #tpu.memory_space<hbm>>) dst(%dma_wait3A_55 : memref<125x32xf32, #tpu.memory_space<vmem>>)
        tpu.yield
      }) : () -> ()
      %mul3A_29 = arith.constant 8 : i32
      %mul3A_30 = arith.muli %scan3A_8, %mul3A_29 : i32
      %add3A_31 = arith.constant 5 : i32
      %add3A_32 = arith.addi %mul3A_30, %add3A_31 : i32
      "tpu.region"() ({
        %run_scoped3A = tpu.sem_alloc : memref<!tpu.dma_semaphore, #tpu.memory_space<semaphore_mem>>
        %dma_start3A = arith.constant 625 : i32
        %dma_start3A_46 = arith.constant 0 : i32
        %dma_start3A_47 = tpu.memref_slice %arg6[%dma_start3A, %dma_start3A_46] : memref<1000x32xf32, #tpu.memory_space<vmem>> -> memref<125x32xf32, #tpu.memory_space<vmem>>
        %dma_start3A_48 = arith.constant 0 : i32
        %dma_start3A_49 = tpu.memref_slice %arg5[%add3A_32, %dma_start3A_48] : memref<40x125xi32, #tpu.memory_space<vmem>> -> memref<1x125xi32, #tpu.memory_space<vmem>>
        %dma_start3A_50 = tpu.memref_squeeze %dma_start3A_49 : memref<1x125xi32, #tpu.memory_space<vmem>> -> memref<125xi32, #tpu.memory_space<vmem>>
        %dma_start3A_51 = arith.constant 0 : i32
        %dma_start3A_52 = arith.constant 0 : i32
        %dma_start3A_53 = tpu.memref_slice %arg2[%dma_start3A_51, %dma_start3A_52] : memref<10000x32xf32, #tpu.memory_space<hbm>> -> memref<10000x32xf32, #tpu.memory_space<hbm>>
        tpu.enqueue_indirect_dma source(%dma_start3A_53 : memref<10000x32xf32, #tpu.memory_space<hbm>>) target(%dma_start3A_47 : memref<125x32xf32, #tpu.memory_space<vmem>>) offsets(%dma_start3A_50 : memref<125xi32, #tpu.memory_space<vmem>>) semaphore(%run_scoped3A : memref<!tpu.dma_semaphore, #tpu.memory_space<semaphore_mem>>)
        %dma_wait3A = arith.constant 625 : i32
        %dma_wait3A_54 = arith.constant 0 : i32
        %dma_wait3A_55 = tpu.memref_slice %arg6[%dma_wait3A, %dma_wait3A_54] : memref<1000x32xf32, #tpu.memory_space<vmem>> -> memref<125x32xf32, #tpu.memory_space<vmem>>
        %dma_wait3A_56 = arith.constant 0 : i32
        %dma_wait3A_57 = tpu.memref_slice %arg5[%add3A_32, %dma_wait3A_56] : memref<40x125xi32, #tpu.memory_space<vmem>> -> memref<1x125xi32, #tpu.memory_space<vmem>>
        %dma_wait3A_58 = tpu.memref_squeeze %dma_wait3A_57 : memref<1x125xi32, #tpu.memory_space<vmem>> -> memref<125xi32, #tpu.memory_space<vmem>>
        %dma_wait3A_59 = arith.constant 0 : i32
        %dma_wait3A_60 = arith.constant 0 : i32
        %dma_wait3A_61 = tpu.memref_slice %arg2[%dma_wait3A_59, %dma_wait3A_60] : memref<10000x32xf32, #tpu.memory_space<hbm>> -> memref<10000x32xf32, #tpu.memory_space<hbm>>
        tpu.wait_indirect_dma semaphore(%run_scoped3A : memref<!tpu.dma_semaphore, #tpu.memory_space<semaphore_mem>>) src(%dma_wait3A_61 : memref<10000x32xf32, #tpu.memory_space<hbm>>) dst(%dma_wait3A_55 : memref<125x32xf32, #tpu.memory_space<vmem>>)
        tpu.yield
      }) : () -> ()
      %mul3A_33 = arith.constant 8 : i32
      %mul3A_34 = arith.muli %scan3A_8, %mul3A_33 : i32
      %add3A_35 = arith.constant 6 : i32
      %add3A_36 = arith.addi %mul3A_34, %add3A_35 : i32
      "tpu.region"() ({
        %run_scoped3A = tpu.sem_alloc : memref<!tpu.dma_semaphore, #tpu.memory_space<semaphore_mem>>
        %dma_start3A = arith.constant 750 : i32
        %dma_start3A_46 = arith.constant 0 : i32
        %dma_start3A_47 = tpu.memref_slice %arg6[%dma_start3A, %dma_start3A_46] : memref<1000x32xf32, #tpu.memory_space<vmem>> -> memref<125x32xf32, #tpu.memory_space<vmem>>
        %dma_start3A_48 = arith.constant 0 : i32
        %dma_start3A_49 = tpu.memref_slice %arg5[%add3A_36, %dma_start3A_48] : memref<40x125xi32, #tpu.memory_space<vmem>> -> memref<1x125xi32, #tpu.memory_space<vmem>>
        %dma_start3A_50 = tpu.memref_squeeze %dma_start3A_49 : memref<1x125xi32, #tpu.memory_space<vmem>> -> memref<125xi32, #tpu.memory_space<vmem>>
        %dma_start3A_51 = arith.constant 0 : i32
        %dma_start3A_52 = arith.constant 0 : i32
        %dma_start3A_53 = tpu.memref_slice %arg2[%dma_start3A_51, %dma_start3A_52] : memref<10000x32xf32, #tpu.memory_space<hbm>> -> memref<10000x32xf32, #tpu.memory_space<hbm>>
        tpu.enqueue_indirect_dma source(%dma_start3A_53 : memref<10000x32xf32, #tpu.memory_space<hbm>>) target(%dma_start3A_47 : memref<125x32xf32, #tpu.memory_space<vmem>>) offsets(%dma_start3A_50 : memref<125xi32, #tpu.memory_space<vmem>>) semaphore(%run_scoped3A : memref<!tpu.dma_semaphore, #tpu.memory_space<semaphore_mem>>)
        %dma_wait3A = arith.constant 750 : i32
        %dma_wait3A_54 = arith.constant 0 : i32
        %dma_wait3A_55 = tpu.memref_slice %arg6[%dma_wait3A, %dma_wait3A_54] : memref<1000x32xf32, #tpu.memory_space<vmem>> -> memref<125x32xf32, #tpu.memory_space<vmem>>
        %dma_wait3A_56 = arith.constant 0 : i32
        %dma_wait3A_57 = tpu.memref_slice %arg5[%add3A_36, %dma_wait3A_56] : memref<40x125xi32, #tpu.memory_space<vmem>> -> memref<1x125xi32, #tpu.memory_space<vmem>>
        %dma_wait3A_58 = tpu.memref_squeeze %dma_wait3A_57 : memref<1x125xi32, #tpu.memory_space<vmem>> -> memref<125xi32, #tpu.memory_space<vmem>>
        %dma_wait3A_59 = arith.constant 0 : i32
        %dma_wait3A_60 = arith.constant 0 : i32
        %dma_wait3A_61 = tpu.memref_slice %arg2[%dma_wait3A_59, %dma_wait3A_60] : memref<10000x32xf32, #tpu.memory_space<hbm>> -> memref<10000x32xf32, #tpu.memory_space<hbm>>
        tpu.wait_indirect_dma semaphore(%run_scoped3A : memref<!tpu.dma_semaphore, #tpu.memory_space<semaphore_mem>>) src(%dma_wait3A_61 : memref<10000x32xf32, #tpu.memory_space<hbm>>) dst(%dma_wait3A_55 : memref<125x32xf32, #tpu.memory_space<vmem>>)
        tpu.yield
      }) : () -> ()
      %mul3A_37 = arith.constant 8 : i32
      %mul3A_38 = arith.muli %scan3A_8, %mul3A_37 : i32
      %add3A_39 = arith.constant 7 : i32
      %add3A_40 = arith.addi %mul3A_38, %add3A_39 : i32
      "tpu.region"() ({
        %run_scoped3A = tpu.sem_alloc : memref<!tpu.dma_semaphore, #tpu.memory_space<semaphore_mem>>
        %dma_start3A = arith.constant 875 : i32
        %dma_start3A_46 = arith.constant 0 : i32
        %dma_start3A_47 = tpu.memref_slice %arg6[%dma_start3A, %dma_start3A_46] : memref<1000x32xf32, #tpu.memory_space<vmem>> -> memref<125x32xf32, #tpu.memory_space<vmem>>
        %dma_start3A_48 = arith.constant 0 : i32
        %dma_start3A_49 = tpu.memref_slice %arg5[%add3A_40, %dma_start3A_48] : memref<40x125xi32, #tpu.memory_space<vmem>> -> memref<1x125xi32, #tpu.memory_space<vmem>>
        %dma_start3A_50 = tpu.memref_squeeze %dma_start3A_49 : memref<1x125xi32, #tpu.memory_space<vmem>> -> memref<125xi32, #tpu.memory_space<vmem>>
        %dma_start3A_51 = arith.constant 0 : i32
        %dma_start3A_52 = arith.constant 0 : i32
        %dma_start3A_53 = tpu.memref_slice %arg2[%dma_start3A_51, %dma_start3A_52] : memref<10000x32xf32, #tpu.memory_space<hbm>> -> memref<10000x32xf32, #tpu.memory_space<hbm>>
        tpu.enqueue_indirect_dma source(%dma_start3A_53 : memref<10000x32xf32, #tpu.memory_space<hbm>>) target(%dma_start3A_47 : memref<125x32xf32, #tpu.memory_space<vmem>>) offsets(%dma_start3A_50 : memref<125xi32, #tpu.memory_space<vmem>>) semaphore(%run_scoped3A : memref<!tpu.dma_semaphore, #tpu.memory_space<semaphore_mem>>)
        %dma_wait3A = arith.constant 875 : i32
        %dma_wait3A_54 = arith.constant 0 : i32
        %dma_wait3A_55 = tpu.memref_slice %arg6[%dma_wait3A, %dma_wait3A_54] : memref<1000x32xf32, #tpu.memory_space<vmem>> -> memref<125x32xf32, #tpu.memory_space<vmem>>
        %dma_wait3A_56 = arith.constant 0 : i32
        %dma_wait3A_57 = tpu.memref_slice %arg5[%add3A_40, %dma_wait3A_56] : memref<40x125xi32, #tpu.memory_space<vmem>> -> memref<1x125xi32, #tpu.memory_space<vmem>>
        %dma_wait3A_58 = tpu.memref_squeeze %dma_wait3A_57 : memref<1x125xi32, #tpu.memory_space<vmem>> -> memref<125xi32, #tpu.memory_space<vmem>>
        %dma_wait3A_59 = arith.constant 0 : i32
        %dma_wait3A_60 = arith.constant 0 : i32
        %dma_wait3A_61 = tpu.memref_slice %arg2[%dma_wait3A_59, %dma_wait3A_60] : memref<10000x32xf32, #tpu.memory_space<hbm>> -> memref<10000x32xf32, #tpu.memory_space<hbm>>
        tpu.wait_indirect_dma semaphore(%run_scoped3A : memref<!tpu.dma_semaphore, #tpu.memory_space<semaphore_mem>>) src(%dma_wait3A_61 : memref<10000x32xf32, #tpu.memory_space<hbm>>) dst(%dma_wait3A_55 : memref<125x32xf32, #tpu.memory_space<vmem>>)
        tpu.yield
      }) : () -> ()
      %mul3A_41 = arith.constant 5000 : i32
      %mul3A_42 = arith.muli %add3A, %mul3A_41 : i32
      %mul3A_43 = arith.constant 1000 : i32
      %mul3A_44 = arith.muli %scan3A_8, %mul3A_43 : i32
      %add3A_45 = arith.addi %mul3A_42, %mul3A_44 : i32
      "tpu.region"() ({
        %run_scoped3A = tpu.sem_alloc : memref<!tpu.dma_semaphore, #tpu.memory_space<semaphore_mem>>
        %dma_start3A = arith.constant 0 : i32
        %dma_start3A_46 = tpu.memref_slice %arg4[%add3A_45, %dma_start3A] : memref<160000x32xf32, #tpu.memory_space<hbm>> -> memref<1000x32xf32, #tpu.memory_space<hbm>>
        %dma_start3A_47 = arith.constant 0 : i32
        %dma_start3A_48 = tpu.memref_slice %arg4[%add3A_45, %dma_start3A_47] : memref<160000x32xf32, #tpu.memory_space<hbm>> -> memref<1000x32xf32, #tpu.memory_space<hbm>>
        tpu.enqueue_dma source(%arg6 : memref<1000x32xf32, #tpu.memory_space<vmem>>) target(%dma_start3A_48 : memref<1000x32xf32, #tpu.memory_space<hbm>>) target_semaphore(%run_scoped3A : memref<!tpu.dma_semaphore, #tpu.memory_space<semaphore_mem>>)
        %dma_wait3A = arith.constant 0 : i32
        %dma_wait3A_49 = tpu.memref_slice %arg4[%add3A_45, %dma_wait3A] : memref<160000x32xf32, #tpu.memory_space<hbm>> -> memref<1000x32xf32, #tpu.memory_space<hbm>>
        %dma_wait3A_50 = arith.constant 0 : i32
        %dma_wait3A_51 = tpu.memref_slice %arg4[%add3A_45, %dma_wait3A_50] : memref<160000x32xf32, #tpu.memory_space<hbm>> -> memref<1000x32xf32, #tpu.memory_space<hbm>>
        tpu.wait_dma2 semaphore(%run_scoped3A : memref<!tpu.dma_semaphore, #tpu.memory_space<semaphore_mem>>) src(%arg6 : memref<1000x32xf32, #tpu.memory_space<vmem>>) dst(%dma_wait3A_51 : memref<1000x32xf32, #tpu.memory_space<hbm>>)
        tpu.yield
      }) : () -> ()
    }
    %scan3A_7 = arith.constant 5 : i32
    return
  }
}

</mosaic_0001>

<sc_bundles>
// kernel: _sc_gather.3.cloned.1.call-start
scs
__scs_entry_jumppad:
0x0: {  	(pc) =	sbr.rel $0x88, $3  }
0x1: {  	(tag) =	ssettag $0x0;
	lr =	simm.s32 $0x1  }
0x2: {  	[smem:$0x3F9F] =	sst lr;
	_ =	strace $0xD0000000  }
0x3: {  	_ = 	snop  }
0x4: {  	_ = 	snop  }
0x5: {  	_ = 	snop  }
0x6: {  	_ = 	snop  }
0x7: {  	_ = 	snop  }
__scs_overlays_trampoline_lowered:
0x8: {  	[smem:$0x3FAE] =	sst s0  }
0x9: {  	[smem:$0x3FAF] =	sst s1  }
0xa: {  	[smem:$0x3FB0] =	sst s2  }
0xb: {  	[smem:$0x3FB1] =	sst s3  }
0xc: {  	[smem:$0x3FB2] =	sst s4  }
0xd: {  	[smem:$0x3FB3] =	sst s5  }
0xe: {  	[smem:$0x3FB4] =	sst s6  }
0xf: {  	[smem:$0x3FB5] =	sst s7  }
0x10: {  	[smem:$0x3FB6] =	sst s8  }
0x11: {  	[smem:$0x3FB7] =	sst s9;
	s0 =	simm.s32 @!p0 $0x0  }
0x12: {  	s1 =	sld [smem:$0x3F9D];
	s0 =	simm.s32 @p0 $0x1  }
0x13: {  	[smem:$0x3FB8] =	sst s0;
	s0 =	simm.s32 @!p1 $0x0  }
0x14: {  	s2 =	sld [smem:$0x3F9C];
	s0 =	simm.s32 @p1 $0x1  }
0x15: {  	[smem:$0x3FB9] =	sst s0;
	s0 =	simm.s32 @!p2 $0x0  }
0x16: {  	s3 =	sld [smem:$0x3FDB];
	s0 =	simm.s32 @p2 $0x1  }
0x17: {  	s4 =	simm.s32 $0x1BF5;
	[smem:$0x3FBB] =	sst s0  }
0x18: {  	s0 =	sld [smem:$0x3F9E];
	_ =	swait.ge [sflag:s4], $0x0  }
0x19: {  	s7 =	sld [smem:$0x3F9F]  }
0x1a: {  	s8 =	sadd.s32 $0xFFFFE003, lr  }
0x1b: {  	s9 =	sadd.s32 $0xFFFFFEF7, lr;
	s5 =	simm.s32 $0xFFFFFFFF;
	p2 =	slt.u32 s8, $0xFFFFF086  }
0x1c: {  	p1 =	slt.u32 s9, $0xF7A;
	s5 =	simm.s32 @!p2 $0x0  }
0x1d: {  	s5 =	simm.s32 @p1 $0x1;
	p0 =	seq.s32 s7, s2  }
0x1e: {  	s7 =	smul.u32 @!p0 $0xF7A, s2;
	p2 =	seq.s32 @!p0 s5, $0x0  }
0x1f: {  	s9 =	smul.u32 $0xF7A, s1;
	s8 =	simm.s32 @!p0 $0x1BF5;
	p2 =	por !p2, p0  }
0x20: {  	[sflag:s8] =	ssyncset.s32 @!p0 $0xFFFFF086;
	s6 =	sadd.s32 @!p0 s3, s7;
	s7 =	simm.s32 @!p0 $0x108  }
0x21: {  	s3 =	sadd.s32 s3, s9;
	s6 =	sadd.s32 @!p0 $0x88, s6;
	s7 =	simm.s32 @p2 $0x1082  }
0x22: {  	[simem:s7], [sflag:s8] =	dma.local @!p0 [hbm:s6], $0xF7A  }
0x23: {  	s9 =	sor.u32 $0xD0000000, s2;
	s6 =	simm.s32 $0x108;
	_ =	swait.ge @!p0 [sflag:s8], $0x0  }
0x24: {  	s3 =	sadd.s32 $0x88, s3;
	s6 =	simm.s32 @!p1 $0x1082;
	[sflag:s4] =	ssyncset.s32 $0xFFFFF086  }
0x25: {  	[simem:s6], [sflag:s4] =	dma.local [hbm:s3], $0xF7A  }
0x26: {  	[smem:$0x3F9F] =	sst s1;
	(tag) =	ssettag s2;
	_ =	strace s9  }
0x27: {  	s1 =	sld [smem:$0x3FAF]  }
0x28: {  	s2 =	sld [smem:$0x3FB0]  }
0x29: {  	s4 =	sld [smem:$0x3FB2]  }
0x2a: {  	p0 =	seq.s32 s5, $0x0;
	s5 =	sld [smem:$0x3FB3]  }
0x2b: {  	s6 =	sld [smem:$0x3FB4]  }
0x2c: {  	s7 =	sld [smem:$0x3FB5]  }
0x2d: {  	s3 =	simm.s32 $0x108;
	s8 =	sld [smem:$0x3FB6]  }
0x2e: {  	s3 =	simm.s32 @!p0 $0x1082;
	s9 =	sld [smem:$0x3FB7]  }
0x2f: {  	lr =	sadd.s32 s0, s3;
	s0 =	sld [smem:$0x3FAE]  }
0x30: {  	s3 =	sld [smem:$0x3FB1]  }
0x31: {  	[smem:$0x3FBA] =	sst s10  }
0x32: {  	s10 =	sld [smem:$0x3FB8];
	_ =	sdelay $0x3  }
0x33: {  	p0 =	seq.s32 s10, $0x1;
	s10 =	sld [smem:$0x3FBA];
	_ =	sdelay $0x3  }
0x34: {  	[smem:$0x3FBA] =	sst s10  }
0x35: {  	s10 =	sld [smem:$0x3FB9];
	_ =	sdelay $0x3  }
0x36: {  	p1 =	seq.s32 s10, $0x1;
	s10 =	sld [smem:$0x3FBA];
	_ =	sdelay $0x3  }
0x37: {  	[smem:$0x3FBA] =	sst s10  }
0x38: {  	s10 =	sld [smem:$0x3FBB]  }
0x39: {  	_ = 	snop;
	(pc) =	sbr.ind lr, $3  }
0x3a: {  	_ = 	snop  }
0x3b: {  	_ = 	snop  }
0x3c: {  	p2 =	seq.s32 s10, $0x1;
	s10 =	sld [smem:$0x3FBA]  }
0x3d: {  	_ =	shalt  }
0x3e: {  	_ =	shalt  }
0x3f: {  	_ =	shalt  }
0x40: {  	_ =	shalt  }
0x41: {  	_ =	shalt  }
0x42: {  	_ =	shalt  }
0x43: {  	_ =	shalt  }
0x44: {  	_ =	shalt  }
0x45: {  	_ =	shalt  }
0x46: {  	_ =	shalt  }
0x47: {  	_ =	shalt  }
0x48: {  	_ =	shalt  }
0x49: {  	_ =	shalt  }
0x4a: {  	_ =	shalt  }
0x4b: {  	_ =	shalt  }
0x4c: {  	_ =	shalt  }
0x4d: {  	_ =	shalt  }
0x4e: {  	_ =	shalt  }
0x4f: {  	_ =	shalt  }
0x50: {  	_ =	shalt  }
0x51: {  	_ =	shalt  }
0x52: {  	_ =	shalt  }
0x53: {  	_ =	shalt  }
0x54: {  	_ =	shalt  }
0x55: {  	_ =	shalt  }
0x56: {  	_ =	shalt  }
0x57: {  	_ =	shalt  }
0x58: {  	_ =	shalt  }
0x59: {  	_ =	shalt  }
0x5a: {  	_ =	shalt  }
0x5b: {  	_ =	shalt  }
0x5c: {  	_ =	shalt  }
0x5d: {  	_ =	shalt  }
0x5e: {  	_ =	shalt  }
0x5f: {  	_ =	shalt  }
0x60: {  	_ =	shalt  }
0x61: {  	_ =	shalt  }
0x62: {  	_ =	shalt  }
0x63: {  	_ =	shalt  }
0x64: {  	_ =	shalt  }
0x65: {  	_ =	shalt  }
0x66: {  	_ =	shalt  }
0x67: {  	_ =	shalt  }
0x68: {  	_ =	shalt  }
0x69: {  	_ =	shalt  }
0x6a: {  	_ =	shalt  }
0x6b: {  	_ =	shalt  }
0x6c: {  	_ =	shalt  }
0x6d: {  	_ =	shalt  }
0x6e: {  	_ =	shalt  }
0x6f: {  	_ =	shalt  }
0x70: {  	_ =	shalt  }
0x71: {  	_ =	shalt  }
0x72: {  	_ =	shalt  }
0x73: {  	_ =	shalt  }
0x74: {  	_ =	shalt  }
0x75: {  	_ =	shalt  }
0x76: {  	_ =	shalt  }
0x77: {  	_ =	shalt  }
0x78: {  	_ =	shalt  }
0x79: {  	_ =	shalt  }
0x7a: {  	_ =	shalt  }
0x7b: {  	_ =	shalt  }
0x7c: {  	_ =	shalt  }
0x7d: {  	_ =	shalt  }
0x7e: {  	_ =	shalt  }
0x7f: {  	_ =	shalt  }
0x80: {  	_ =	shalt  }
0x81: {  	_ =	shalt  }
0x82: {  	_ =	shalt  }
0x83: {  	_ =	shalt  }
0x84: {  	_ =	shalt  }
0x85: {  	_ =	shalt  }
0x86: {  	_ =	shalt  }
0x87: {  	_ =	shalt  }
.Lfunc_end0:
.L_simem_size_0:
called_computation_lowered:
.L_overlay_start_0:
0x88: {  	s2 =	sld [smem:$0x3FD9]  }
0x89: {  	s3 =	sld [smem:$0x3FFE];
	_ =	sdelay $0x1  }
0x8a: {  	s1 =	srdreg.scid  }
0x8b: {  	s0 =	sand.u32 $0x1, s1  }
0x8c: {  	s17 =	sshll.u32 s0, $0xA;
	s2 =	sadd.s32 s3, s2  }
0x8d: {  	s2 =	sadd.s32 s2, s17  }
0x8e: {  	[smem:$0x3FC6] =	sst s2  }
0x8f: {  	_ = 	snop  }
0x90: {  	s2 =	sld [smem:$0x3FD0];
	(tm) =	ssettm $0x1  }
0x91: {  	s18 =	sld [smem:$0x3FFB];
	_ =	sdelay $0x3  }
0x92: {  	_ =	strace s18  }
0x93: {  	s3 =	sld [smem:$0x3FFC];
	_ =	sdelay $0x3  }
0x94: {  	_ =	strace s3  }
0x95: {  	s3 =	sld [smem:$0x3FFD];
	_ =	sdelay $0x3  }
0x96: {  	_ =	strace s3  }
0x97: {  	_ =	strace $0x8FFFFFFF  }
0x98: {  	s19 =	sld [smem:$0x3FDB];
	_ =	sdelay $0x1  }
0x99: {  	s4 =	simm.s32 $_scs_section_size  }
0x9a: {  	s5 =	simm.s32 $_size__tile_overlayer_lowered;
	s6 =	simm.s32 $_tile_overlayer_lowered  }
0x9b: {  	s22 =	simm.s32 $0x1BFF;
	s21 =	sshll.u32 s6, $0x1;
	s3 =	sadd.s32 s4, s19  }
0x9c: {  	s7 =	simm.s32 $0x0;
	s20 =	sshll.u32 s5, $0x1;
	s5 =	sadd.s32 s21, s3  }
0x9d: {  	[timem:s7], [sflag:s22] =	dma.local [hbm:s5], s20  }
0x9e: {  	_ =	swait.ge [sflag:s22], s20  }
0x9f: {  	s4 =	ssub.s32 $0x0, s20;
	[sflag:s22] =	ssyncset.done $0x0  }
0xa0: {  	[sflag:s22] =	ssyncadd.s32 s4;
	_ =	sdelay $0x1  }
0xa1: {  	s23 =	simm.s32 $0x1B8B  }
0xa2: {  	_ =	swait.ge [sflag:s23], $0x1  }
0xa3: {  	[sflag:s23] =	ssyncset.done $0x0  }
0xa4: {  	s25 =	simm.s32 $0x1B8E;
	s24 =	sld [smem:$0x3FFE];
	[sflag:s23] =	ssyncadd.s32 $0xFFFFFFFF  }
0xa5: {  	s26 =	simm.s32 $execute0_lowered;
	[smem:$0x3FD2] =	sst s25  }
0xa6: {  	s5 =	sshll.u32 s26, $0x1;
	_ =	strace $0x80000046;
	[dreg:$0x1] =	wrdreg $0xFFFFFFFF  }
0xa7: {  	s28 =	simm.s32 $_size_execute0_lowered;
	s3 =	sadd.s32 s3, s5;
	[dreg:$0x0] =	wrdreg $0x0  }
0xa8: {  	s5 =	sshll.u32 s28, $0x1;
	[dreg:$0x2] =	wrdreg s3  }
0xa9: {  	[dreg:$0x3] =	wrdreg s5  }
0xaa: {  	[dreg:$0x4] =	wrdreg $0xC0  }
0xab: {  	_ =	task [dreg:s7], $0x5FFFF  }
0xac: {  	[dreg:$0x1] =	wrdreg $0xFFFFFFFF  }
0xad: {  	[dreg:$0x0] =	wrdreg $0x60  }
0xae: {  	[dreg:$0x2] =	wrdreg s24  }
0xaf: {  	[dreg:$0x3] =	wrdreg s2  }
0xb0: {  	[dreg:$0x4] =	wrdreg $0x9  }
0xb1: {  	_ =	task.clear_ibuf [dreg:s7], $0x5FFFF;
	_ =	strace $0x90000046  }
0xb2: {  	s29 =	simm.s32 $0x9;
	_ =	strace $0x80000048  }
0xb3: {  	_ =	swait.ge [sflag:s29], $0x1  }
0xb4: {  	[sflag:s29] =	ssyncadd.s32 $0xFFFFFFFF  }
0xb5: {  	_ =	strace $0x90000048  }
0xb6: {  	_ =	sfence  }
0xb7: {  	s30 =	sld [smem:$0x0];
	_ =	sdelay $0x2  }
0xb8: {  	s31 =	sshll.u32 s1, $0xD;
	s1 =	sshrl.u32 s1, $0x2  }
0xb9: {  	s3 =	sand.u32 $0x4000, s31;
	s1 =	sadd.s32 s1, s30  }
0xba: {  	s0 =	sor.u32 s3, s0;
	s1 =	sshll.u32 s1, $0x11  }
0xbb: {  	s0 =	sor.u32 s1, s0  }
0xbc: {  	s0 =	sadd.s32 $0x8F2B, s0  }
0xbd: {  	[sflag:s0] =	ssyncadd.remote.s32 $0x1  }
0xbe: {  	_ =	sfence.sel $0xFFFF  }
0xbf: {  	[dreg:$0x0] =	wrdreg $0xFFFFFFFF;
	(pc) =	sbr.abs _section_cstart, $3  }
0xc0: {  	[dreg:$0x1] =	wrdreg $0xFFFFFFFF  }
0xc1: {  	_ =	task.clear_ibuf [dreg:s7], $0x2FFFF;
	_ =	strace $0x9FFFFFFF  }
0xc2: {  	(tm) =	ssettm $0x7FFFFFFF  }
0xc3: {  	_ =	shalt  }
tec
execute0_lowered:
.L_overlay_start_1:
0x0: {  	(tag) =	ssettag $0x1  }
0x1: {  	s4 =	rddreg [dreg:$0x0]  }
0x2: {  	s6 =	rddreg [dreg:$0x1]  }
0x3: {  	s0 =	rddreg [dreg:$0x2];
	s3 =	srdreg.scid  }
0x4: {  	s1 =	stileid.u32;
	s2 =	simm.s32 $0x0;
	s11 =	simm.s32 $0x3340  }
0x5: {  	s12 =	simm.s32 $0x42E0;
	s13 =	simm.s32 $0x5280;
	s14 =	simm.s32 $0x6220  }
0x6: {  	s15 =	simm.s32 $0x71C0;
	s16 =	simm.s32 $0x8160;
	s17 =	simm.s32 $0x0  }
0x7: {  	s5 =	sand.u32 $0x1, s3;
	s29 =	sshll.u32 s1, $0x1;
	s10 =	smul.u32 $0x9C40, s1  }
0x8: {  	[smem:$0x7FF] =	sst s2;
	s3 =	sor.u32 s5, s29;
	s31 =	smul.u32 $0x4E20, s5  }
0x9: {  	_ =	strace $0x80000047;
	s8 =	ssub.s32 $0x2, s5;
	s7 =	smul.u32 $0x280, s3  }
0xa: {  	s3 =	sadd.s32 $0x400, s4;
	s9 =	sshrl.u32 s8, $0x1;
	s6 =	sadd.s32 s10, s6  }
0xb: {  	s10 =	simm.s32 $0x23A0;
	s30 =	ssub.s32 s8, s9;
	s6 =	sadd.s32 s31, s6  }
0xc: {  	s8 =	simm.s32 $0x7D;
	s9 =	simm.s32 $0x1400;
	s4 =	sadd.s32 s7, s4  }
0xd: {  	s5 =	smax.u32 s30, $0x1;
	s7 =	simm.s32 $0x1;
	s4 =	sadd.s32 $0xA200, s4  }
.LBB2_1:
0xe: {  	[tilespmem:s2], [sflag:$0x1] =	stream.linear.gather [hbm4b:s4+s2], $0x1400, $0x38;
	[tilespmem:$0x9100] =	vst v63  }
0xf: {  	_ =	swait.ge [sflag:s7], $0x1400  }
0x10: {  	[sflag:s7] =	ssyncset.done $0x0  }
0x11: {  	s18 =	simm.s32 $0x0;
	[sflag:s7] =	ssyncadd.s32 $0xFFFFEC00  }
0x12: {  	[tilespmem:s9], [sflag:$0x1] =	stream.indirect.gather [hbm4b:s3+s8], $0x20, s18, s8, $0xb8;
	[tilespmem:$0x9100] =	vst v63  }
0x13: {  	_ =	swait.ge [sflag:s7], $0xFA0  }
0x14: {  	[sflag:s7] =	ssyncset.done $0x0  }
0x15: {  	s24 =	simm.s32 $0x80;
	[sflag:s7] =	ssyncadd.s32 $0xFFFFF060  }
0x16: {  	[tilespmem:s10], [sflag:$0x1] =	stream.indirect.gather [hbm4b:s3+s8], $0x20, s24, s8, $0xb8;
	[tilespmem:$0x9100] =	vst v63  }
0x17: {  	_ =	swait.ge [sflag:s7], $0xFA0  }
0x18: {  	[sflag:s7] =	ssyncset.done $0x0  }
0x19: {  	s25 =	simm.s32 $0x100;
	[sflag:s7] =	ssyncadd.s32 $0xFFFFF060  }
0x1a: {  	[tilespmem:s11], [sflag:$0x1] =	stream.indirect.gather [hbm4b:s3+s8], $0x20, s25, s8, $0xb8;
	[tilespmem:$0x9100] =	vst v63  }
0x1b: {  	_ =	swait.ge [sflag:s7], $0xFA0  }
0x1c: {  	[sflag:s7] =	ssyncset.done $0x0  }
0x1d: {  	s26 =	simm.s32 $0x180;
	[sflag:s7] =	ssyncadd.s32 $0xFFFFF060  }
0x1e: {  	[tilespmem:s12], [sflag:$0x1] =	stream.indirect.gather [hbm4b:s3+s8], $0x20, s26, s8, $0xb8;
	[tilespmem:$0x9100] =	vst v63  }
0x1f: {  	_ =	swait.ge [sflag:s7], $0xFA0  }
0x20: {  	[sflag:s7] =	ssyncset.done $0x0  }
0x21: {  	s28 =	simm.s32 $0x200;
	[sflag:s7] =	ssyncadd.s32 $0xFFFFF060  }
0x22: {  	[tilespmem:s13], [sflag:$0x1] =	stream.indirect.gather [hbm4b:s3+s8], $0x20, s28, s8, $0xb8;
	[tilespmem:$0x9100] =	vst v63  }
0x23: {  	_ =	swait.ge [sflag:s7], $0xFA0  }
0x24: {  	[sflag:s7] =	ssyncset.done $0x0  }
0x25: {  	s29 =	simm.s32 $0x280;
	[sflag:s7] =	ssyncadd.s32 $0xFFFFF060  }
0x26: {  	[tilespmem:s14], [sflag:$0x1] =	stream.indirect.gather [hbm4b:s3+s8], $0x20, s29, s8, $0xb8;
	[tilespmem:$0x9100] =	vst v63  }
0x27: {  	_ =	swait.ge [sflag:s7], $0xFA0  }
0x28: {  	[sflag:s7] =	ssyncset.done $0x0  }
0x29: {  	s30 =	simm.s32 $0x300;
	[sflag:s7] =	ssyncadd.s32 $0xFFFFF060  }
0x2a: {  	[tilespmem:s15], [sflag:$0x1] =	stream.indirect.gather [hbm4b:s3+s8], $0x20, s30, s8, $0xb8;
	[tilespmem:$0x9100] =	vst v63  }
0x2b: {  	_ =	swait.ge [sflag:s7], $0xFA0  }
0x2c: {  	[sflag:s7] =	ssyncset.done $0x0  }
0x2d: {  	s31 =	simm.s32 $0x380;
	[sflag:s7] =	ssyncadd.s32 $0xFFFFF060  }
0x2e: {  	[tilespmem:s16], [sflag:$0x1] =	stream.indirect.gather [hbm4b:s3+s8], $0x20, s31, s8, $0xb8;
	[tilespmem:$0x9100] =	vst v63  }
0x2f: {  	_ =	swait.ge [sflag:s7], $0xFA0  }
0x30: {  	[sflag:s7] =	ssyncset.done $0x0  }
0x31: {  	[sflag:s7] =	ssyncadd.s32 $0xFFFFF060  }
0x32: {  	[hbm4b:s6+s2] =	stream.linear.scatter [tilespmem:s9], [sflag:$0x1], $0x7D00, $0x38;
	[tilespmem:$0x9100] =	vst v63  }
0x33: {  	s19 =	simm.s32 $0x1000;
	_ =	swait.ge [sflag:s7], $0x7D00  }
0x34: {  	s22 =	simm.s32 $0x2000;
	s18 =	sadd.s32 $0xFA0, s6;
	[sflag:s7] =	ssyncset.done $0x0  }
.LBB2_2:
0x35: {  	s21 =	sshra.s32 s19, $0x2  }
0x36: {  	[sflag:s7] =	ssyncadd.s32 $0xFFFF8300;
	s19 =	smov.u32 s22;
	s20 =	sadd.s32 $0x1000, s22  }
0x37: {  	[tilespmem:s9], [sflag:$0x1] =	stream.indirect.gather [hbm4b:s3+s8], $0x20, s21, s8, $0xb8;
	[tilespmem:$0x9100] =	vst v63  }
0x38: {  	p0 =	sne.s32 s22, $0x4000;
	_ =	swait.ge [sflag:s7], $0xFA0  }
0x39: {  	[sflag:s7] =	ssyncset.done $0x0  }
0x3a: {  	s22 =	sadd.s32 $0x80, s21;
	[sflag:s7] =	ssyncadd.s32 $0xFFFFF060  }
0x3b: {  	[tilespmem:s10], [sflag:$0x1] =	stream.indirect.gather [hbm4b:s3+s8], $0x20, s22, s8, $0xb8;
	[tilespmem:$0x9100] =	vst v63  }
0x3c: {  	_ =	swait.ge [sflag:s7], $0xFA0  }
0x3d: {  	[sflag:s7] =	ssyncset.done $0x0  }
0x3e: {  	s22 =	sadd.s32 $0x100, s21;
	[sflag:s7] =	ssyncadd.s32 $0xFFFFF060  }
0x3f: {  	[tilespmem:s11], [sflag:$0x1] =	stream.indirect.gather [hbm4b:s3+s8], $0x20, s22, s8, $0xb8;
	[tilespmem:$0x9100] =	vst v63  }
0x40: {  	_ =	swait.ge [sflag:s7], $0xFA0  }
0x41: {  	[sflag:s7] =	ssyncset.done $0x0  }
0x42: {  	s22 =	sadd.s32 $0x180, s21;
	[sflag:s7] =	ssyncadd.s32 $0xFFFFF060  }
0x43: {  	[tilespmem:s12], [sflag:$0x1] =	stream.indirect.gather [hbm4b:s3+s8], $0x20, s22, s8, $0xb8;
	[tilespmem:$0x9100] =	vst v63  }
0x44: {  	_ =	swait.ge [sflag:s7], $0xFA0  }
0x45: {  	[sflag:s7] =	ssyncset.done $0x0  }
0x46: {  	s22 =	sadd.s32 $0x200, s21;
	[sflag:s7] =	ssyncadd.s32 $0xFFFFF060  }
0x47: {  	[tilespmem:s13], [sflag:$0x1] =	stream.indirect.gather [hbm4b:s3+s8], $0x20, s22, s8, $0xb8;
	[tilespmem:$0x9100] =	vst v63  }
0x48: {  	_ =	swait.ge [sflag:s7], $0xFA0  }
0x49: {  	[sflag:s7] =	ssyncset.done $0x0  }
0x4a: {  	s22 =	sadd.s32 $0x280, s21;
	[sflag:s7] =	ssyncadd.s32 $0xFFFFF060  }
0x4b: {  	[tilespmem:s14], [sflag:$0x1] =	stream.indirect.gather [hbm4b:s3+s8], $0x20, s22, s8, $0xb8;
	[tilespmem:$0x9100] =	vst v63  }
0x4c: {  	_ =	swait.ge [sflag:s7], $0xFA0  }
0x4d: {  	[sflag:s7] =	ssyncset.done $0x0  }
0x4e: {  	s22 =	sadd.s32 $0x300, s21;
	[sflag:s7] =	ssyncadd.s32 $0xFFFFF060  }
0x4f: {  	[tilespmem:s15], [sflag:$0x1] =	stream.indirect.gather [hbm4b:s3+s8], $0x20, s22, s8, $0xb8;
	[tilespmem:$0x9100] =	vst v63  }
0x50: {  	_ =	swait.ge [sflag:s7], $0xFA0  }
0x51: {  	[sflag:s7] =	ssyncset.done $0x0  }
0x52: {  	s21 =	sadd.s32 $0x380, s21;
	[sflag:s7] =	ssyncadd.s32 $0xFFFFF060  }
0x53: {  	[tilespmem:s16], [sflag:$0x1] =	stream.indirect.gather [hbm4b:s3+s8], $0x20, s21, s8, $0xb8;
	[tilespmem:$0x9100] =	vst v63  }
0x54: {  	_ =	swait.ge [sflag:s7], $0xFA0  }
.Ltmp0:
0x55: {  	[sflag:s7] =	ssyncset.done $0x0;
	(pc) =	sbr.rel @p0 .LBB2_2-.Ltmp0, $4  }
0x56: {  	[sflag:s7] =	ssyncadd.s32 $0xFFFFF060  }
0x57: {  	[hbm4b:s18+s2] =	stream.linear.scatter [tilespmem:s9], [sflag:$0x1], $0x7D00, $0x38;
	[tilespmem:$0x9100] =	vst v63  }
0x58: {  	_ =	swait.ge [sflag:s7], $0x7D00  }
0x59: {  	s22 =	smov.u32 s20;
	s18 =	sadd.s32 $0xFA0, s18;
	[sflag:s7] =	ssyncset.done $0x0  }
0x5a: {  	s19 =	sshra.s32 s19, $0x2;
	[sflag:s7] =	ssyncadd.s32 $0xFFFF8300  }
0x5b: {  	[tilespmem:s9], [sflag:$0x1] =	stream.indirect.gather [hbm4b:s3+s8], $0x20, s19, s8, $0xb8;
	[tilespmem:$0x9100] =	vst v63  }
0x5c: {  	_ =	swait.ge [sflag:s7], $0xFA0  }
0x5d: {  	[sflag:s7] =	ssyncset.done $0x0  }
0x5e: {  	s20 =	sadd.s32 $0x80, s19;
	[sflag:s7] =	ssyncadd.s32 $0xFFFFF060  }
0x5f: {  	[tilespmem:s10], [sflag:$0x1] =	stream.indirect.gather [hbm4b:s3+s8], $0x20, s20, s8, $0xb8;
	[tilespmem:$0x9100] =	vst v63  }
0x60: {  	_ =	swait.ge [sflag:s7], $0xFA0  }
0x61: {  	[sflag:s7] =	ssyncset.done $0x0  }
0x62: {  	s26 =	sadd.s32 $0x100, s19;
	[sflag:s7] =	ssyncadd.s32 $0xFFFFF060  }
0x63: {  	[tilespmem:s11], [sflag:$0x1] =	stream.indirect.gather [hbm4b:s3+s8], $0x20, s26, s8, $0xb8;
	[tilespmem:$0x9100] =	vst v63  }
0x64: {  	_ =	swait.ge [sflag:s7], $0xFA0  }
0x65: {  	[sflag:s7] =	ssyncset.done $0x0  }
0x66: {  	s28 =	sadd.s32 $0x180, s19;
	[sflag:s7] =	ssyncadd.s32 $0xFFFFF060  }
0x67: {  	[tilespmem:s12], [sflag:$0x1] =	stream.indirect.gather [hbm4b:s3+s8], $0x20, s28, s8, $0xb8;
	[tilespmem:$0x9100] =	vst v63  }
0x68: {  	_ =	swait.ge [sflag:s7], $0xFA0  }
0x69: {  	[sflag:s7] =	ssyncset.done $0x0  }
0x6a: {  	s29 =	sadd.s32 $0x200, s19;
	[sflag:s7] =	ssyncadd.s32 $0xFFFFF060  }
0x6b: {  	[tilespmem:s13], [sflag:$0x1] =	stream.indirect.gather [hbm4b:s3+s8], $0x20, s29, s8, $0xb8;
	[tilespmem:$0x9100] =	vst v63  }
0x6c: {  	_ =	swait.ge [sflag:s7], $0xFA0  }
0x6d: {  	[sflag:s7] =	ssyncset.done $0x0  }
0x6e: {  	s30 =	sadd.s32 $0x280, s19;
	[sflag:s7] =	ssyncadd.s32 $0xFFFFF060  }
0x6f: {  	[tilespmem:s14], [sflag:$0x1] =	stream.indirect.gather [hbm4b:s3+s8], $0x20, s30, s8, $0xb8;
	[tilespmem:$0x9100] =	vst v63  }
0x70: {  	_ =	swait.ge [sflag:s7], $0xFA0  }
0x71: {  	[sflag:s7] =	ssyncset.done $0x0  }
0x72: {  	s31 =	sadd.s32 $0x300, s19;
	[sflag:s7] =	ssyncadd.s32 $0xFFFFF060  }
0x73: {  	[tilespmem:s15], [sflag:$0x1] =	stream.indirect.gather [hbm4b:s3+s8], $0x20, s31, s8, $0xb8;
	[tilespmem:$0x9100] =	vst v63  }
0x74: {  	_ =	swait.ge [sflag:s7], $0xFA0  }
0x75: {  	[sflag:s7] =	ssyncset.done $0x0  }
0x76: {  	s19 =	sadd.s32 $0x380, s19;
	[sflag:s7] =	ssyncadd.s32 $0xFFFFF060  }
0x77: {  	[tilespmem:s16], [sflag:$0x1] =	stream.indirect.gather [hbm4b:s3+s8], $0x20, s19, s8, $0xb8;
	[tilespmem:$0x9100] =	vst v63  }
0x78: {  	s17 =	sadd.s32 $0x1, s17;
	_ =	swait.ge [sflag:s7], $0xFA0  }
0x79: {  	p0 =	sne.s32 s17, s5;
	[sflag:s7] =	ssyncset.done $0x0  }
.Ltmp1:
0x7a: {  	[sflag:s7] =	ssyncadd.s32 $0xFFFFF060;
	(pc) =	sbr.rel @p0 .LBB2_1-.Ltmp1, $4  }
0x7b: {  	[hbm4b:s18+s2] =	stream.linear.scatter [tilespmem:s9], [sflag:$0x1], $0x7D00, $0x38;
	[tilespmem:$0x9100] =	vst v63  }
0x7c: {  	_ =	swait.ge [sflag:s7], $0x7D00  }
0x7d: {  	[sflag:s7] =	ssyncset.done $0x0  }
0x7e: {  	[sflag:s7] =	ssyncadd.s32 $0xFFFF8300  }
0x7f: {  	_ =	sfence.sel $0x180000  }
0x80: {  	[bflag:$0x0] =	sbarrier.arrive $0xFFFF  }
0x81: {  	p0 =	sne.s32 s1, $0x0;
	_ =	strace $0x90000047  }
0x82: {  	s0 =	sadd.s32 @!p0 $0x100000, s0;
	[bflag:$0x2] =	sbarrier.arrive $0xFFFF  }
0x83: {  	[sflag:s0] =	ssyncadd.tile.s32 @!p0 $0x1;
	_ =	shalt  }
.Lfunc_end2:
_tile_overlayer_lowered:
.L_overlay_start_2:
0x84: {  	(tag) =	ssettag $0x2  }
0x85: {  	s0 =	rddreg [dreg:$0x0];
	s2 =	stileid.u32  }
0x86: {  	s1 =	rddreg [dreg:$0x1];
	p0 =	sne.s32 s2, $0x0  }
0x87: {  	s3 =	rddreg [dreg:$0x2];
	[bflag:$0x3] =	sbarrier.arrive $0xFFFF;
	s2 =	simm.s32 @!p0 $0x1C01  }
0x88: {  	[timem:s3], [sflag:s2] =	dma.local @!p0 [hbm:s0], s1  }
0x89: {  	s0 =	simm.s32 @!p0 $0x1  }
0x8a: {  	_ =	swait.ge @!p0 [sflag:s0], s1  }
0x8b: {  	s1 =	ssub.s32 @!p0 $0x0, s1;
	[sflag:s0] =	ssyncset.done @!p0 $0x0  }
0x8c: {  	[sflag:s0] =	ssyncadd.s32 @!p0 s1  }
0x8d: {  	[bflag:$0x3] =	sbarrier.arrive $0xFFFF  }
0x8e: {  	_ =	shalt  }

</sc_bundles>
